<compile_context>
chip_gen: v7x
topology: tpu7x:2x2x1
jax: 0.10.2.dev20260603
libtpu: 0.0.44.dev20260713+nightly
codegen_flags: <defaults>
</compile_context>

<pallas_src>
import functools

import jax
import jax.numpy as jnp
from jax import lax
from jax.experimental import pallas as pl
from jax.experimental.pallas import tpu as pltpu
from jax.experimental.pallas import tpu_sc as plsc

_L = 16
_CHUNK = 128


def _make_sc_fill(B, A):
    info = plsc.get_sparse_core_info()
    nc, ns = info.num_cores, info.num_subcores
    nw = nc * ns
    rpw = B // nw
    nchunks = rpw // _CHUNK

    mesh = plsc.VectorSubcoreMesh(core_axis_name="c", subcore_axis_name="s")

    @functools.partial(
        pl.kernel,
        mesh=mesh,
        out_type=jax.ShapeDtypeStruct((B, A), jnp.float32),
        scratch_types=[
            pltpu.VMEM((rpw,), jnp.int32),
            pltpu.VMEM((rpw, A), jnp.float32),
            pltpu.SemaphoreType.DMA,
        ],
    )
    def sc_fill(a_hbm, out_hbm, idx_v, rows_v, sem):
        wid = lax.axis_index("s") * nc + lax.axis_index("c")
        base = wid * rpw
        zero = jnp.zeros((_L,), jnp.int32)
        for k in range(rpw // _L):
            idx_v[pl.ds(k * _L, _L)] = zero
        copies = [
            pltpu.make_async_copy(
                a_hbm.at[idx_v.at[pl.ds(j * _CHUNK, _CHUNK)]],
                rows_v.at[pl.ds(j * _CHUNK, _CHUNK)],
                sem,
            )
            for j in range(nchunks)
        ]
        for c in copies:
            c.start()
        for c in copies:
            c.wait()
        pltpu.sync_copy(rows_v, out_hbm.at[pl.ds(base, rpw)])

    return sc_fill


def kernel(x, action):
    B = x.shape[0]
    A = action.shape[0]
    a2 = action.reshape(1, A)
    return _make_sc_fill(B, A)(a2)

# --- scband reference (transcript-rebuilt; emitter-appended) ---
"""Pipeline reference for scband-micro-program-10934986735917 (READ-ONLY COPY).

The authoritative reference and input builder live on the scoring server;
editing this copy changes nothing except your own understanding.
"""

import jax, jax.numpy as jnp
import numpy as np

ACTION = [0.05, 0.1, 0.15, 0.2, 0.05, 0.1, 0.05, 0.1, 0.1, 0.1]


def setup_inputs(seed: int = 0) -> dict:
    key = jax.random.key(seed)
    x = jax.random.uniform(key, (16384, 64, 64), dtype=jnp.float32)
    action = jnp.asarray(ACTION, dtype=jnp.float32)
    return {"x": x, "action": action}


def reference(x, action):
    # MicroProgram.forward with pred_funcs == [] (the only JSON-serializable
    # configuration): the predicate loop body never executes, so `satisfies`
    # stays all-True and check_exists is never invoked.
    B = x.shape[0]
    A = action.shape[0]
    satisfies = jnp.ones((B,), dtype=bool)
    action_probs = jnp.zeros((B, A), dtype=jnp.float32)
    # torch: action_probs[satisfies] += self.action  (boolean-mask scatter-add)
    action_probs = action_probs + jnp.where(satisfies[:, None], action[None, :], jnp.zeros((1, A), dtype=jnp.float32))
    return action_probs

if __name__ == "__main__":
    import jax
    _d = setup_inputs()
    print(jax.jit(kernel)(*tuple(_d.values())))

</pallas_src>

<mosaic_0001>
#map = affine_map<(d0, d1) -> (0, 0)>
module attributes {stable_mosaic.version = 14 : i64} {
  func.func @sc_fill(%arg0: i32, %arg1: i32, %arg2: memref<1x10xf32, #tpu.memory_space<hbm>>, %arg3: memref<16384x10xf32, #tpu.memory_space<hbm>>, %arg4: memref<512xi32, #tpu.memory_space<vmem>>, %arg5: memref<512x10xf32, #tpu.memory_space<vmem>>, %arg6: memref<!tpu.dma_semaphore, #tpu.memory_space<semaphore_mem>>) attributes {dimension_semantics = [#tpu.dimension_semantics<core_parallel>, #tpu.dimension_semantics<subcore_parallel>], iteration_bounds = array<i64: 2, 16>, scalar_prefetch = 0 : i64, scratch_operands = 3 : i64, tpu.core_type = #tpu.core_type<sc_vector_subcore>, window_params = [{transform_indices = #map}, {transform_indices = #map}]} {
    %mul3A = arith.constant 2 : i32
    %mul3A_0 = arith.muli %arg1, %mul3A : i32
    %add3A = arith.addi %mul3A_0, %arg0 : i32
    %mul3A_1 = arith.constant 512 : i32
    %mul3A_2 = arith.muli %add3A, %mul3A_1 : i32
    %broadcast_in_dim3A = arith.constant 0 : i32
    %broadcast_in_dim3A_3 = vector.broadcast %broadcast_in_dim3A : i32 to vector<16xi32>
    %swap3A = arith.constant 0 : index
    %swap3A_4 = tpu.vector_load %arg4[%swap3A] {strides = array<i32>} : memref<512xi32, #tpu.memory_space<vmem>>, vector<16xi32>,
    %swap3A_5 = vector.shape_cast %swap3A_4 : vector<16xi32> to vector<16xi32>
    %swap3A_6 = vector.shape_cast %broadcast_in_dim3A_3 : vector<16xi32> to vector<16xi32>
    tpu.vector_store %arg4[%swap3A], %swap3A_6 {strides = array<i32>} : memref<512xi32, #tpu.memory_space<vmem>>, vector<16xi32>,
    %swap3A_7 = arith.constant 16 : index
    %swap3A_8 = tpu.vector_load %arg4[%swap3A_7] {strides = array<i32>} : memref<512xi32, #tpu.memory_space<vmem>>, vector<16xi32>,
    %swap3A_9 = vector.shape_cast %swap3A_8 : vector<16xi32> to vector<16xi32>
    %swap3A_10 = vector.shape_cast %broadcast_in_dim3A_3 : vector<16xi32> to vector<16xi32>
    tpu.vector_store %arg4[%swap3A_7], %swap3A_10 {strides = array<i32>} : memref<512xi32, #tpu.memory_space<vmem>>, vector<16xi32>,
    %swap3A_11 = arith.constant 32 : index
    %swap3A_12 = tpu.vector_load %arg4[%swap3A_11] {strides = array<i32>} : memref<512xi32, #tpu.memory_space<vmem>>, vector<16xi32>,
    %swap3A_13 = vector.shape_cast %swap3A_12 : vector<16xi32> to vector<16xi32>
    %swap3A_14 = vector.shape_cast %broadcast_in_dim3A_3 : vector<16xi32> to vector<16xi32>
    tpu.vector_store %arg4[%swap3A_11], %swap3A_14 {strides = array<i32>} : memref<512xi32, #tpu.memory_space<vmem>>, vector<16xi32>,
    %swap3A_15 = arith.constant 48 : index
    %swap3A_16 = tpu.vector_load %arg4[%swap3A_15] {strides = array<i32>} : memref<512xi32, #tpu.memory_space<vmem>>, vector<16xi32>,
    %swap3A_17 = vector.shape_cast %swap3A_16 : vector<16xi32> to vector<16xi32>
    %swap3A_18 = vector.shape_cast %broadcast_in_dim3A_3 : vector<16xi32> to vector<16xi32>
    tpu.vector_store %arg4[%swap3A_15], %swap3A_18 {strides = array<i32>} : memref<512xi32, #tpu.memory_space<vmem>>, vector<16xi32>,
    %swap3A_19 = arith.constant 64 : index
    %swap3A_20 = tpu.vector_load %arg4[%swap3A_19] {strides = array<i32>} : memref<512xi32, #tpu.memory_space<vmem>>, vector<16xi32>,
    %swap3A_21 = vector.shape_cast %swap3A_20 : vector<16xi32> to vector<16xi32>
    %swap3A_22 = vector.shape_cast %broadcast_in_dim3A_3 : vector<16xi32> to vector<16xi32>
    tpu.vector_store %arg4[%swap3A_19], %swap3A_22 {strides = array<i32>} : memref<512xi32, #tpu.memory_space<vmem>>, vector<16xi32>,
    %swap3A_23 = arith.constant 80 : index
    %swap3A_24 = tpu.vector_load %arg4[%swap3A_23] {strides = array<i32>} : memref<512xi32, #tpu.memory_space<vmem>>, vector<16xi32>,
    %swap3A_25 = vector.shape_cast %swap3A_24 : vector<16xi32> to vector<16xi32>
    %swap3A_26 = vector.shape_cast %broadcast_in_dim3A_3 : vector<16xi32> to vector<16xi32>
    tpu.vector_store %arg4[%swap3A_23], %swap3A_26 {strides = array<i32>} : memref<512xi32, #tpu.memory_space<vmem>>, vector<16xi32>,
    %swap3A_27 = arith.constant 96 : index
    %swap3A_28 = tpu.vector_load %arg4[%swap3A_27] {strides = array<i32>} : memref<512xi32, #tpu.memory_space<vmem>>, vector<16xi32>,
    %swap3A_29 = vector.shape_cast %swap3A_28 : vector<16xi32> to vector<16xi32>
    %swap3A_30 = vector.shape_cast %broadcast_in_dim3A_3 : vector<16xi32> to vector<16xi32>
    tpu.vector_store %arg4[%swap3A_27], %swap3A_30 {strides = array<i32>} : memref<512xi32, #tpu.memory_space<vmem>>, vector<16xi32>,
    %swap3A_31 = arith.constant 112 : index
    %swap3A_32 = tpu.vector_load %arg4[%swap3A_31] {strides = array<i32>} : memref<512xi32, #tpu.memory_space<vmem>>, vector<16xi32>,
    %swap3A_33 = vector.shape_cast %swap3A_32 : vector<16xi32> to vector<16xi32>
    %swap3A_34 = vector.shape_cast %broadcast_in_dim3A_3 : vector<16xi32> to vector<16xi32>
    tpu.vector_store %arg4[%swap3A_31], %swap3A_34 {strides = array<i32>} : memref<512xi32, #tpu.memory_space<vmem>>, vector<16xi32>,
    %swap3A_35 = arith.constant 128 : index
    %swap3A_36 = tpu.vector_load %arg4[%swap3A_35] {strides = array<i32>} : memref<512xi32, #tpu.memory_space<vmem>>, vector<16xi32>,
    %swap3A_37 = vector.shape_cast %swap3A_36 : vector<16xi32> to vector<16xi32>
    %swap3A_38 = vector.shape_cast %broadcast_in_dim3A_3 : vector<16xi32> to vector<16xi32>
    tpu.vector_store %arg4[%swap3A_35], %swap3A_38 {strides = array<i32>} : memref<512xi32, #tpu.memory_space<vmem>>, vector<16xi32>,
    %swap3A_39 = arith.constant 144 : index
    %swap3A_40 = tpu.vector_load %arg4[%swap3A_39] {strides = array<i32>} : memref<512xi32, #tpu.memory_space<vmem>>, vector<16xi32>,
    %swap3A_41 = vector.shape_cast %swap3A_40 : vector<16xi32> to vector<16xi32>
    %swap3A_42 = vector.shape_cast %broadcast_in_dim3A_3 : vector<16xi32> to vector<16xi32>
    tpu.vector_store %arg4[%swap3A_39], %swap3A_42 {strides = array<i32>} : memref<512xi32, #tpu.memory_space<vmem>>, vector<16xi32>,
    %swap3A_43 = arith.constant 160 : index
    %swap3A_44 = tpu.vector_load %arg4[%swap3A_43] {strides = array<i32>} : memref<512xi32, #tpu.memory_space<vmem>>, vector<16xi32>,
    %swap3A_45 = vector.shape_cast %swap3A_44 : vector<16xi32> to vector<16xi32>
    %swap3A_46 = vector.shape_cast %broadcast_in_dim3A_3 : vector<16xi32> to vector<16xi32>
    tpu.vector_store %arg4[%swap3A_43], %swap3A_46 {strides = array<i32>} : memref<512xi32, #tpu.memory_space<vmem>>, vector<16xi32>,
    %swap3A_47 = arith.constant 176 : index
    %swap3A_48 = tpu.vector_load %arg4[%swap3A_47] {strides = array<i32>} : memref<512xi32, #tpu.memory_space<vmem>>, vector<16xi32>,
    %swap3A_49 = vector.shape_cast %swap3A_48 : vector<16xi32> to vector<16xi32>
    %swap3A_50 = vector.shape_cast %broadcast_in_dim3A_3 : vector<16xi32> to vector<16xi32>
    tpu.vector_store %arg4[%swap3A_47], %swap3A_50 {strides = array<i32>} : memref<512xi32, #tpu.memory_space<vmem>>, vector<16xi32>,
    %swap3A_51 = arith.constant 192 : index
    %swap3A_52 = tpu.vector_load %arg4[%swap3A_51] {strides = array<i32>} : memref<512xi32, #tpu.memory_space<vmem>>, vector<16xi32>,
    %swap3A_53 = vector.shape_cast %swap3A_52 : vector<16xi32> to vector<16xi32>
    %swap3A_54 = vector.shape_cast %broadcast_in_dim3A_3 : vector<16xi32> to vector<16xi32>
    tpu.vector_store %arg4[%swap3A_51], %swap3A_54 {strides = array<i32>} : memref<512xi32, #tpu.memory_space<vmem>>, vector<16xi32>,
    %swap3A_55 = arith.constant 208 : index
    %swap3A_56 = tpu.vector_load %arg4[%swap3A_55] {strides = array<i32>} : memref<512xi32, #tpu.memory_space<vmem>>, vector<16xi32>,
    %swap3A_57 = vector.shape_cast %swap3A_56 : vector<16xi32> to vector<16xi32>
    %swap3A_58 = vector.shape_cast %broadcast_in_dim3A_3 : vector<16xi32> to vector<16xi32>
    tpu.vector_store %arg4[%swap3A_55], %swap3A_58 {strides = array<i32>} : memref<512xi32, #tpu.memory_space<vmem>>, vector<16xi32>,
    %swap3A_59 = arith.constant 224 : index
    %swap3A_60 = tpu.vector_load %arg4[%swap3A_59] {strides = array<i32>} : memref<512xi32, #tpu.memory_space<vmem>>, vector<16xi32>,
    %swap3A_61 = vector.shape_cast %swap3A_60 : vector<16xi32> to vector<16xi32>
    %swap3A_62 = vector.shape_cast %broadcast_in_dim3A_3 : vector<16xi32> to vector<16xi32>
    tpu.vector_store %arg4[%swap3A_59], %swap3A_62 {strides = array<i32>} : memref<512xi32, #tpu.memory_space<vmem>>, vector<16xi32>,
    %swap3A_63 = arith.constant 240 : index
    %swap3A_64 = tpu.vector_load %arg4[%swap3A_63] {strides = array<i32>} : memref<512xi32, #tpu.memory_space<vmem>>, vector<16xi32>,
    %swap3A_65 = vector.shape_cast %swap3A_64 : vector<16xi32> to vector<16xi32>
    %swap3A_66 = vector.shape_cast %broadcast_in_dim3A_3 : vector<16xi32> to vector<16xi32>
    tpu.vector_store %arg4[%swap3A_63], %swap3A_66 {strides = array<i32>} : memref<512xi32, #tpu.memory_space<vmem>>, vector<16xi32>,
    %swap3A_67 = arith.constant 256 : index
    %swap3A_68 = tpu.vector_load %arg4[%swap3A_67] {strides = array<i32>} : memref<512xi32, #tpu.memory_space<vmem>>, vector<16xi32>,
    %swap3A_69 = vector.shape_cast %swap3A_68 : vector<16xi32> to vector<16xi32>
    %swap3A_70 = vector.shape_cast %broadcast_in_dim3A_3 : vector<16xi32> to vector<16xi32>
    tpu.vector_store %arg4[%swap3A_67], %swap3A_70 {strides = array<i32>} : memref<512xi32, #tpu.memory_space<vmem>>, vector<16xi32>,
    %swap3A_71 = arith.constant 272 : index
    %swap3A_72 = tpu.vector_load %arg4[%swap3A_71] {strides = array<i32>} : memref<512xi32, #tpu.memory_space<vmem>>, vector<16xi32>,
    %swap3A_73 = vector.shape_cast %swap3A_72 : vector<16xi32> to vector<16xi32>
    %swap3A_74 = vector.shape_cast %broadcast_in_dim3A_3 : vector<16xi32> to vector<16xi32>
    tpu.vector_store %arg4[%swap3A_71], %swap3A_74 {strides = array<i32>} : memref<512xi32, #tpu.memory_space<vmem>>, vector<16xi32>,
    %swap3A_75 = arith.constant 288 : index
    %swap3A_76 = tpu.vector_load %arg4[%swap3A_75] {strides = array<i32>} : memref<512xi32, #tpu.memory_space<vmem>>, vector<16xi32>,
    %swap3A_77 = vector.shape_cast %swap3A_76 : vector<16xi32> to vector<16xi32>
    %swap3A_78 = vector.shape_cast %broadcast_in_dim3A_3 : vector<16xi32> to vector<16xi32>
    tpu.vector_store %arg4[%swap3A_75], %swap3A_78 {strides = array<i32>} : memref<512xi32, #tpu.memory_space<vmem>>, vector<16xi32>,
    %swap3A_79 = arith.constant 304 : index
    %swap3A_80 = tpu.vector_load %arg4[%swap3A_79] {strides = array<i32>} : memref<512xi32, #tpu.memory_space<vmem>>, vector<16xi32>,
    %swap3A_81 = vector.shape_cast %swap3A_80 : vector<16xi32> to vector<16xi32>
    %swap3A_82 = vector.shape_cast %broadcast_in_dim3A_3 : vector<16xi32> to vector<16xi32>
    tpu.vector_store %arg4[%swap3A_79], %swap3A_82 {strides = array<i32>} : memref<512xi32, #tpu.memory_space<vmem>>, vector<16xi32>,
    %swap3A_83 = arith.constant 320 : index
    %swap3A_84 = tpu.vector_load %arg4[%swap3A_83] {strides = array<i32>} : memref<512xi32, #tpu.memory_space<vmem>>, vector<16xi32>,
    %swap3A_85 = vector.shape_cast %swap3A_84 : vector<16xi32> to vector<16xi32>
    %swap3A_86 = vector.shape_cast %broadcast_in_dim3A_3 : vector<16xi32> to vector<16xi32>
    tpu.vector_store %arg4[%swap3A_83], %swap3A_86 {strides = array<i32>} : memref<512xi32, #tpu.memory_space<vmem>>, vector<16xi32>,
    %swap3A_87 = arith.constant 336 : index
    %swap3A_88 = tpu.vector_load %arg4[%swap3A_87] {strides = array<i32>} : memref<512xi32, #tpu.memory_space<vmem>>, vector<16xi32>,
    %swap3A_89 = vector.shape_cast %swap3A_88 : vector<16xi32> to vector<16xi32>
    %swap3A_90 = vector.shape_cast %broadcast_in_dim3A_3 : vector<16xi32> to vector<16xi32>
    tpu.vector_store %arg4[%swap3A_87], %swap3A_90 {strides = array<i32>} : memref<512xi32, #tpu.memory_space<vmem>>, vector<16xi32>,
    %swap3A_91 = arith.constant 352 : index
    %swap3A_92 = tpu.vector_load %arg4[%swap3A_91] {strides = array<i32>} : memref<512xi32, #tpu.memory_space<vmem>>, vector<16xi32>,
    %swap3A_93 = vector.shape_cast %swap3A_92 : vector<16xi32> to vector<16xi32>
    %swap3A_94 = vector.shape_cast %broadcast_in_dim3A_3 : vector<16xi32> to vector<16xi32>
    tpu.vector_store %arg4[%swap3A_91], %swap3A_94 {strides = array<i32>} : memref<512xi32, #tpu.memory_space<vmem>>, vector<16xi32>,
    %swap3A_95 = arith.constant 368 : index
    %swap3A_96 = tpu.vector_load %arg4[%swap3A_95] {strides = array<i32>} : memref<512xi32, #tpu.memory_space<vmem>>, vector<16xi32>,
    %swap3A_97 = vector.shape_cast %swap3A_96 : vector<16xi32> to vector<16xi32>
    %swap3A_98 = vector.shape_cast %broadcast_in_dim3A_3 : vector<16xi32> to vector<16xi32>
    tpu.vector_store %arg4[%swap3A_95], %swap3A_98 {strides = array<i32>} : memref<512xi32, #tpu.memory_space<vmem>>, vector<16xi32>,
    %swap3A_99 = arith.constant 384 : index
    %swap3A_100 = tpu.vector_load %arg4[%swap3A_99] {strides = array<i32>} : memref<512xi32, #tpu.memory_space<vmem>>, vector<16xi32>,
    %swap3A_101 = vector.shape_cast %swap3A_100 : vector<16xi32> to vector<16xi32>
    %swap3A_102 = vector.shape_cast %broadcast_in_dim3A_3 : vector<16xi32> to vector<16xi32>
    tpu.vector_store %arg4[%swap3A_99], %swap3A_102 {strides = array<i32>} : memref<512xi32, #tpu.memory_space<vmem>>, vector<16xi32>,
    %swap3A_103 = arith.constant 400 : index
    %swap3A_104 = tpu.vector_load %arg4[%swap3A_103] {strides = array<i32>} : memref<512xi32, #tpu.memory_space<vmem>>, vector<16xi32>,
    %swap3A_105 = vector.shape_cast %swap3A_104 : vector<16xi32> to vector<16xi32>
    %swap3A_106 = vector.shape_cast %broadcast_in_dim3A_3 : vector<16xi32> to vector<16xi32>
    tpu.vector_store %arg4[%swap3A_103], %swap3A_106 {strides = array<i32>} : memref<512xi32, #tpu.memory_space<vmem>>, vector<16xi32>,
    %swap3A_107 = arith.constant 416 : index
    %swap3A_108 = tpu.vector_load %arg4[%swap3A_107] {strides = array<i32>} : memref<512xi32, #tpu.memory_space<vmem>>, vector<16xi32>,
    %swap3A_109 = vector.shape_cast %swap3A_108 : vector<16xi32> to vector<16xi32>
    %swap3A_110 = vector.shape_cast %broadcast_in_dim3A_3 : vector<16xi32> to vector<16xi32>
    tpu.vector_store %arg4[%swap3A_107], %swap3A_110 {strides = array<i32>} : memref<512xi32, #tpu.memory_space<vmem>>, vector<16xi32>,
    %swap3A_111 = arith.constant 432 : index
    %swap3A_112 = tpu.vector_load %arg4[%swap3A_111] {strides = array<i32>} : memref<512xi32, #tpu.memory_space<vmem>>, vector<16xi32>,
    %swap3A_113 = vector.shape_cast %swap3A_112 : vector<16xi32> to vector<16xi32>
    %swap3A_114 = vector.shape_cast %broadcast_in_dim3A_3 : vector<16xi32> to vector<16xi32>
    tpu.vector_store %arg4[%swap3A_111], %swap3A_114 {strides = array<i32>} : memref<512xi32, #tpu.memory_space<vmem>>, vector<16xi32>,
    %swap3A_115 = arith.constant 448 : index
    %swap3A_116 = tpu.vector_load %arg4[%swap3A_115] {strides = array<i32>} : memref<512xi32, #tpu.memory_space<vmem>>, vector<16xi32>,
    %swap3A_117 = vector.shape_cast %swap3A_116 : vector<16xi32> to vector<16xi32>
    %swap3A_118 = vector.shape_cast %broadcast_in_dim3A_3 : vector<16xi32> to vector<16xi32>
    tpu.vector_store %arg4[%swap3A_115], %swap3A_118 {strides = array<i32>} : memref<512xi32, #tpu.memory_space<vmem>>, vector<16xi32>,
    %swap3A_119 = arith.constant 464 : index
    %swap3A_120 = tpu.vector_load %arg4[%swap3A_119] {strides = array<i32>} : memref<512xi32, #tpu.memory_space<vmem>>, vector<16xi32>,
    %swap3A_121 = vector.shape_cast %swap3A_120 : vector<16xi32> to vector<16xi32>
    %swap3A_122 = vector.shape_cast %broadcast_in_dim3A_3 : vector<16xi32> to vector<16xi32>
    tpu.vector_store %arg4[%swap3A_119], %swap3A_122 {strides = array<i32>} : memref<512xi32, #tpu.memory_space<vmem>>, vector<16xi32>,
    %swap3A_123 = arith.constant 480 : index
    %swap3A_124 = tpu.vector_load %arg4[%swap3A_123] {strides = array<i32>} : memref<512xi32, #tpu.memory_space<vmem>>, vector<16xi32>,
    %swap3A_125 = vector.shape_cast %swap3A_124 : vector<16xi32> to vector<16xi32>
    %swap3A_126 = vector.shape_cast %broadcast_in_dim3A_3 : vector<16xi32> to vector<16xi32>
    tpu.vector_store %arg4[%swap3A_123], %swap3A_126 {strides = array<i32>} : memref<512xi32, #tpu.memory_space<vmem>>, vector<16xi32>,
    %swap3A_127 = arith.constant 496 : index
    %swap3A_128 = tpu.vector_load %arg4[%swap3A_127] {strides = array<i32>} : memref<512xi32, #tpu.memory_space<vmem>>, vector<16xi32>,
    %swap3A_129 = vector.shape_cast %swap3A_128 : vector<16xi32> to vector<16xi32>
    %swap3A_130 = vector.shape_cast %broadcast_in_dim3A_3 : vector<16xi32> to vector<16xi32>
    tpu.vector_store %arg4[%swap3A_127], %swap3A_130 {strides = array<i32>} : memref<512xi32, #tpu.memory_space<vmem>>, vector<16xi32>,
    %dma_start3A = arith.constant 0 : i32
    %dma_start3A_131 = arith.constant 0 : i32
    %dma_start3A_132 = tpu.memref_slice %arg5[%dma_start3A, %dma_start3A_131] : memref<512x10xf32, #tpu.memory_space<vmem>> -> memref<128x10xf32, #tpu.memory_space<vmem>>
    %dma_start3A_133 = arith.constant 0 : i32
    %dma_start3A_134 = tpu.memref_slice %arg4[%dma_start3A_133] : memref<512xi32, #tpu.memory_space<vmem>> -> memref<128xi32, #tpu.memory_space<vmem>>
    %dma_start3A_135 = arith.constant 0 : i32
    %dma_start3A_136 = arith.constant 0 : i32
    %dma_start3A_137 = tpu.memref_slice %arg2[%dma_start3A_135, %dma_start3A_136] : memref<1x10xf32, #tpu.memory_space<hbm>> -> memref<1x10xf32, #tpu.memory_space<hbm>>
    tpu.enqueue_indirect_dma source(%dma_start3A_137 : memref<1x10xf32, #tpu.memory_space<hbm>>) target(%dma_start3A_132 : memref<128x10xf32, #tpu.memory_space<vmem>>) offsets(%dma_start3A_134 : memref<128xi32, #tpu.memory_space<vmem>>) semaphore(%arg6 : memref<!tpu.dma_semaphore, #tpu.memory_space<semaphore_mem>>)
    %dma_start3A_138 = arith.constant 128 : i32
    %dma_start3A_139 = arith.constant 0 : i32
    %dma_start3A_140 = tpu.memref_slice %arg5[%dma_start3A_138, %dma_start3A_139] : memref<512x10xf32, #tpu.memory_space<vmem>> -> memref<128x10xf32, #tpu.memory_space<vmem>>
    %dma_start3A_141 = arith.constant 128 : i32
    %dma_start3A_142 = tpu.memref_slice %arg4[%dma_start3A_141] : memref<512xi32, #tpu.memory_space<vmem>> -> memref<128xi32, #tpu.memory_space<vmem>>
    %dma_start3A_143 = arith.constant 0 : i32
    %dma_start3A_144 = arith.constant 0 : i32
    %dma_start3A_145 = tpu.memref_slice %arg2[%dma_start3A_143, %dma_start3A_144] : memref<1x10xf32, #tpu.memory_space<hbm>> -> memref<1x10xf32, #tpu.memory_space<hbm>>
    tpu.enqueue_indirect_dma source(%dma_start3A_145 : memref<1x10xf32, #tpu.memory_space<hbm>>) target(%dma_start3A_140 : memref<128x10xf32, #tpu.memory_space<vmem>>) offsets(%dma_start3A_142 : memref<128xi32, #tpu.memory_space<vmem>>) semaphore(%arg6 : memref<!tpu.dma_semaphore, #tpu.memory_space<semaphore_mem>>)
    %dma_start3A_146 = arith.constant 256 : i32
    %dma_start3A_147 = arith.constant 0 : i32
    %dma_start3A_148 = tpu.memref_slice %arg5[%dma_start3A_146, %dma_start3A_147] : memref<512x10xf32, #tpu.memory_space<vmem>> -> memref<128x10xf32, #tpu.memory_space<vmem>>
    %dma_start3A_149 = arith.constant 256 : i32
    %dma_start3A_150 = tpu.memref_slice %arg4[%dma_start3A_149] : memref<512xi32, #tpu.memory_space<vmem>> -> memref<128xi32, #tpu.memory_space<vmem>>
    %dma_start3A_151 = arith.constant 0 : i32
    %dma_start3A_152 = arith.constant 0 : i32
    %dma_start3A_153 = tpu.memref_slice %arg2[%dma_start3A_151, %dma_start3A_152] : memref<1x10xf32, #tpu.memory_space<hbm>> -> memref<1x10xf32, #tpu.memory_space<hbm>>
    tpu.enqueue_indirect_dma source(%dma_start3A_153 : memref<1x10xf32, #tpu.memory_space<hbm>>) target(%dma_start3A_148 : memref<128x10xf32, #tpu.memory_space<vmem>>) offsets(%dma_start3A_150 : memref<128xi32, #tpu.memory_space<vmem>>) semaphore(%arg6 : memref<!tpu.dma_semaphore, #tpu.memory_space<semaphore_mem>>)
    %dma_start3A_154 = arith.constant 384 : i32
    %dma_start3A_155 = arith.constant 0 : i32
    %dma_start3A_156 = tpu.memref_slice %arg5[%dma_start3A_154, %dma_start3A_155] : memref<512x10xf32, #tpu.memory_space<vmem>> -> memref<128x10xf32, #tpu.memory_space<vmem>>
    %dma_start3A_157 = arith.constant 384 : i32
    %dma_start3A_158 = tpu.memref_slice %arg4[%dma_start3A_157] : memref<512xi32, #tpu.memory_space<vmem>> -> memref<128xi32, #tpu.memory_space<vmem>>
    %dma_start3A_159 = arith.constant 0 : i32
    %dma_start3A_160 = arith.constant 0 : i32
    %dma_start3A_161 = tpu.memref_slice %arg2[%dma_start3A_159, %dma_start3A_160] : memref<1x10xf32, #tpu.memory_space<hbm>> -> memref<1x10xf32, #tpu.memory_space<hbm>>
    tpu.enqueue_indirect_dma source(%dma_start3A_161 : memref<1x10xf32, #tpu.memory_space<hbm>>) target(%dma_start3A_156 : memref<128x10xf32, #tpu.memory_space<vmem>>) offsets(%dma_start3A_158 : memref<128xi32, #tpu.memory_space<vmem>>) semaphore(%arg6 : memref<!tpu.dma_semaphore, #tpu.memory_space<semaphore_mem>>)
    %dma_wait3A = arith.constant 0 : i32
    %dma_wait3A_162 = arith.constant 0 : i32
    %dma_wait3A_163 = tpu.memref_slice %arg5[%dma_wait3A, %dma_wait3A_162] : memref<512x10xf32, #tpu.memory_space<vmem>> -> memref<128x10xf32, #tpu.memory_space<vmem>>
    %dma_wait3A_164 = arith.constant 0 : i32
    %dma_wait3A_165 = tpu.memref_slice %arg4[%dma_wait3A_164] : memref<512xi32, #tpu.memory_space<vmem>> -> memref<128xi32, #tpu.memory_space<vmem>>
    %dma_wait3A_166 = arith.constant 0 : i32
    %dma_wait3A_167 = arith.constant 0 : i32
    %dma_wait3A_168 = tpu.memref_slice %arg2[%dma_wait3A_166, %dma_wait3A_167] : memref<1x10xf32, #tpu.memory_space<hbm>> -> memref<1x10xf32, #tpu.memory_space<hbm>>
    tpu.wait_indirect_dma semaphore(%arg6 : memref<!tpu.dma_semaphore, #tpu.memory_space<semaphore_mem>>) src(%dma_wait3A_168 : memref<1x10xf32, #tpu.memory_space<hbm>>) dst(%dma_wait3A_163 : memref<128x10xf32, #tpu.memory_space<vmem>>)
    %dma_wait3A_169 = arith.constant 128 : i32
    %dma_wait3A_170 = arith.constant 0 : i32
    %dma_wait3A_171 = tpu.memref_slice %arg5[%dma_wait3A_169, %dma_wait3A_170] : memref<512x10xf32, #tpu.memory_space<vmem>> -> memref<128x10xf32, #tpu.memory_space<vmem>>
    %dma_wait3A_172 = arith.constant 128 : i32
    %dma_wait3A_173 = tpu.memref_slice %arg4[%dma_wait3A_172] : memref<512xi32, #tpu.memory_space<vmem>> -> memref<128xi32, #tpu.memory_space<vmem>>
    %dma_wait3A_174 = arith.constant 0 : i32
    %dma_wait3A_175 = arith.constant 0 : i32
    %dma_wait3A_176 = tpu.memref_slice %arg2[%dma_wait3A_174, %dma_wait3A_175] : memref<1x10xf32, #tpu.memory_space<hbm>> -> memref<1x10xf32, #tpu.memory_space<hbm>>
    tpu.wait_indirect_dma semaphore(%arg6 : memref<!tpu.dma_semaphore, #tpu.memory_space<semaphore_mem>>) src(%dma_wait3A_176 : memref<1x10xf32, #tpu.memory_space<hbm>>) dst(%dma_wait3A_171 : memref<128x10xf32, #tpu.memory_space<vmem>>)
    %dma_wait3A_177 = arith.constant 256 : i32
    %dma_wait3A_178 = arith.constant 0 : i32
    %dma_wait3A_179 = tpu.memref_slice %arg5[%dma_wait3A_177, %dma_wait3A_178] : memref<512x10xf32, #tpu.memory_space<vmem>> -> memref<128x10xf32, #tpu.memory_space<vmem>>
    %dma_wait3A_180 = arith.constant 256 : i32
    %dma_wait3A_181 = tpu.memref_slice %arg4[%dma_wait3A_180] : memref<512xi32, #tpu.memory_space<vmem>> -> memref<128xi32, #tpu.memory_space<vmem>>
    %dma_wait3A_182 = arith.constant 0 : i32
    %dma_wait3A_183 = arith.constant 0 : i32
    %dma_wait3A_184 = tpu.memref_slice %arg2[%dma_wait3A_182, %dma_wait3A_183] : memref<1x10xf32, #tpu.memory_space<hbm>> -> memref<1x10xf32, #tpu.memory_space<hbm>>
    tpu.wait_indirect_dma semaphore(%arg6 : memref<!tpu.dma_semaphore, #tpu.memory_space<semaphore_mem>>) src(%dma_wait3A_184 : memref<1x10xf32, #tpu.memory_space<hbm>>) dst(%dma_wait3A_179 : memref<128x10xf32, #tpu.memory_space<vmem>>)
    %dma_wait3A_185 = arith.constant 384 : i32
    %dma_wait3A_186 = arith.constant 0 : i32
    %dma_wait3A_187 = tpu.memref_slice %arg5[%dma_wait3A_185, %dma_wait3A_186] : memref<512x10xf32, #tpu.memory_space<vmem>> -> memref<128x10xf32, #tpu.memory_space<vmem>>
    %dma_wait3A_188 = arith.constant 384 : i32
    %dma_wait3A_189 = tpu.memref_slice %arg4[%dma_wait3A_188] : memref<512xi32, #tpu.memory_space<vmem>> -> memref<128xi32, #tpu.memory_space<vmem>>
    %dma_wait3A_190 = arith.constant 0 : i32
    %dma_wait3A_191 = arith.constant 0 : i32
    %dma_wait3A_192 = tpu.memref_slice %arg2[%dma_wait3A_190, %dma_wait3A_191] : memref<1x10xf32, #tpu.memory_space<hbm>> -> memref<1x10xf32, #tpu.memory_space<hbm>>
    tpu.wait_indirect_dma semaphore(%arg6 : memref<!tpu.dma_semaphore, #tpu.memory_space<semaphore_mem>>) src(%dma_wait3A_192 : memref<1x10xf32, #tpu.memory_space<hbm>>) dst(%dma_wait3A_187 : memref<128x10xf32, #tpu.memory_space<vmem>>)
    "tpu.region"() ({
      %run_scoped3A = tpu.sem_alloc : memref<!tpu.dma_semaphore, #tpu.memory_space<semaphore_mem>>
      %dma_start3A_193 = arith.constant 0 : i32
      %dma_start3A_194 = tpu.memref_slice %arg3[%mul3A_2, %dma_start3A_193] : memref<16384x10xf32, #tpu.memory_space<hbm>> -> memref<512x10xf32, #tpu.memory_space<hbm>>
      %dma_start3A_195 = arith.constant 0 : i32
      %dma_start3A_196 = tpu.memref_slice %arg3[%mul3A_2, %dma_start3A_195] : memref<16384x10xf32, #tpu.memory_space<hbm>> -> memref<512x10xf32, #tpu.memory_space<hbm>>
      tpu.enqueue_dma source(%arg5 : memref<512x10xf32, #tpu.memory_space<vmem>>) target(%dma_start3A_196 : memref<512x10xf32, #tpu.memory_space<hbm>>) target_semaphore(%run_scoped3A : memref<!tpu.dma_semaphore, #tpu.memory_space<semaphore_mem>>)
      %dma_wait3A_197 = arith.constant 0 : i32
      %dma_wait3A_198 = tpu.memref_slice %arg3[%mul3A_2, %dma_wait3A_197] : memref<16384x10xf32, #tpu.memory_space<hbm>> -> memref<512x10xf32, #tpu.memory_space<hbm>>
      %dma_wait3A_199 = arith.constant 0 : i32
      %dma_wait3A_200 = tpu.memref_slice %arg3[%mul3A_2, %dma_wait3A_199] : memref<16384x10xf32, #tpu.memory_space<hbm>> -> memref<512x10xf32, #tpu.memory_space<hbm>>
      tpu.wait_dma2 semaphore(%run_scoped3A : memref<!tpu.dma_semaphore, #tpu.memory_space<semaphore_mem>>) src(%arg5 : memref<512x10xf32, #tpu.memory_space<vmem>>) dst(%dma_wait3A_200 : memref<512x10xf32, #tpu.memory_space<hbm>>)
      tpu.yield
    }) : () -> ()
    return
  }
}

</mosaic_0001>

<sc_bundles>
// kernel: kernel.3.cloned.1.call-start
scs
__scs_entry_jumppad:
0x0: {  	(pc) =	sbr.rel $0x88, $3  }
0x1: {  	(tag) =	ssettag $0x0;
	lr =	simm.s32 $0x1  }
0x2: {  	[smem:$0x3FA0] =	sst lr;
	_ =	strace $0xD0000000  }
0x3: {  	_ = 	snop  }
0x4: {  	_ = 	snop  }
0x5: {  	_ = 	snop  }
0x6: {  	_ = 	snop  }
0x7: {  	_ = 	snop  }
__scs_overlays_trampoline_lowered:
0x8: {  	[smem:$0x3FAF] =	sst s0  }
0x9: {  	[smem:$0x3FB0] =	sst s1  }
0xa: {  	[smem:$0x3FB1] =	sst s2  }
0xb: {  	[smem:$0x3FB2] =	sst s3  }
0xc: {  	[smem:$0x3FB3] =	sst s4  }
0xd: {  	[smem:$0x3FB4] =	sst s5  }
0xe: {  	[smem:$0x3FB5] =	sst s6  }
0xf: {  	[smem:$0x3FB6] =	sst s7  }
0x10: {  	[smem:$0x3FB7] =	sst s8  }
0x11: {  	[smem:$0x3FB8] =	sst s9;
	s0 =	simm.s32 @!p0 $0x0  }
0x12: {  	s1 =	sld [smem:$0x3F9E];
	s0 =	simm.s32 @p0 $0x1  }
0x13: {  	[smem:$0x3FB9] =	sst s0;
	s0 =	simm.s32 @!p1 $0x0  }
0x14: {  	s2 =	sld [smem:$0x3F9D];
	s0 =	simm.s32 @p1 $0x1  }
0x15: {  	[smem:$0x3FBA] =	sst s0;
	s0 =	simm.s32 @!p2 $0x0  }
0x16: {  	s3 =	sld [smem:$0x3FDB];
	s0 =	simm.s32 @p2 $0x1  }
0x17: {  	s4 =	simm.s32 $0x1BF5;
	[smem:$0x3FBC] =	sst s0  }
0x18: {  	s0 =	sld [smem:$0x3F9F];
	_ =	swait.ge [sflag:s4], $0x0  }
0x19: {  	s7 =	sld [smem:$0x3FA0]  }
0x1a: {  	s8 =	sadd.s32 $0xFFFFE003, lr  }
0x1b: {  	s9 =	sadd.s32 $0xFFFFFEF7, lr;
	s5 =	simm.s32 $0xFFFFFFFF;
	p2 =	slt.u32 s8, $0xFFFFF086  }
0x1c: {  	p1 =	slt.u32 s9, $0xF7A;
	s5 =	simm.s32 @!p2 $0x0  }
0x1d: {  	s5 =	simm.s32 @p1 $0x1;
	p0 =	seq.s32 s7, s2  }
0x1e: {  	s7 =	smul.u32 @!p0 $0xF7A, s2;
	p2 =	seq.s32 @!p0 s5, $0x0  }
0x1f: {  	s9 =	smul.u32 $0xF7A, s1;
	s8 =	simm.s32 @!p0 $0x1BF5;
	p2 =	por !p2, p0  }
0x20: {  	[sflag:s8] =	ssyncset.s32 @!p0 $0xFFFFF086;
	s6 =	sadd.s32 @!p0 s3, s7;
	s7 =	simm.s32 @!p0 $0x108  }
0x21: {  	s3 =	sadd.s32 s3, s9;
	s6 =	sadd.s32 @!p0 $0x88, s6;
	s7 =	simm.s32 @p2 $0x1082  }
0x22: {  	[simem:s7], [sflag:s8] =	dma.local @!p0 [hbm:s6], $0xF7A  }
0x23: {  	s9 =	sor.u32 $0xD0000000, s2;
	s6 =	simm.s32 $0x108;
	_ =	swait.ge @!p0 [sflag:s8], $0x0  }
0x24: {  	s3 =	sadd.s32 $0x88, s3;
	s6 =	simm.s32 @!p1 $0x1082;
	[sflag:s4] =	ssyncset.s32 $0xFFFFF086  }
0x25: {  	[simem:s6], [sflag:s4] =	dma.local [hbm:s3], $0xF7A  }
0x26: {  	[smem:$0x3FA0] =	sst s1;
	(tag) =	ssettag s2;
	_ =	strace s9  }
0x27: {  	s1 =	sld [smem:$0x3FB0]  }
0x28: {  	s2 =	sld [smem:$0x3FB1]  }
0x29: {  	s4 =	sld [smem:$0x3FB3]  }
0x2a: {  	p0 =	seq.s32 s5, $0x0;
	s5 =	sld [smem:$0x3FB4]  }
0x2b: {  	s6 =	sld [smem:$0x3FB5]  }
0x2c: {  	s7 =	sld [smem:$0x3FB6]  }
0x2d: {  	s3 =	simm.s32 $0x108;
	s8 =	sld [smem:$0x3FB7]  }
0x2e: {  	s3 =	simm.s32 @!p0 $0x1082;
	s9 =	sld [smem:$0x3FB8]  }
0x2f: {  	lr =	sadd.s32 s0, s3;
	s0 =	sld [smem:$0x3FAF]  }
0x30: {  	s3 =	sld [smem:$0x3FB2]  }
0x31: {  	[smem:$0x3FBB] =	sst s10  }
0x32: {  	s10 =	sld [smem:$0x3FB9];
	_ =	sdelay $0x3  }
0x33: {  	p0 =	seq.s32 s10, $0x1;
	s10 =	sld [smem:$0x3FBB];
	_ =	sdelay $0x3  }
0x34: {  	[smem:$0x3FBB] =	sst s10  }
0x35: {  	s10 =	sld [smem:$0x3FBA];
	_ =	sdelay $0x3  }
0x36: {  	p1 =	seq.s32 s10, $0x1;
	s10 =	sld [smem:$0x3FBB];
	_ =	sdelay $0x3  }
0x37: {  	[smem:$0x3FBB] =	sst s10  }
0x38: {  	s10 =	sld [smem:$0x3FBC]  }
0x39: {  	_ = 	snop;
	(pc) =	sbr.ind lr, $3  }
0x3a: {  	_ = 	snop  }
0x3b: {  	_ = 	snop  }
0x3c: {  	p2 =	seq.s32 s10, $0x1;
	s10 =	sld [smem:$0x3FBB]  }
0x3d: {  	_ =	shalt  }
0x3e: {  	_ =	shalt  }
0x3f: {  	_ =	shalt  }
0x40: {  	_ =	shalt  }
0x41: {  	_ =	shalt  }
0x42: {  	_ =	shalt  }
0x43: {  	_ =	shalt  }
0x44: {  	_ =	shalt  }
0x45: {  	_ =	shalt  }
0x46: {  	_ =	shalt  }
0x47: {  	_ =	shalt  }
0x48: {  	_ =	shalt  }
0x49: {  	_ =	shalt  }
0x4a: {  	_ =	shalt  }
0x4b: {  	_ =	shalt  }
0x4c: {  	_ =	shalt  }
0x4d: {  	_ =	shalt  }
0x4e: {  	_ =	shalt  }
0x4f: {  	_ =	shalt  }
0x50: {  	_ =	shalt  }
0x51: {  	_ =	shalt  }
0x52: {  	_ =	shalt  }
0x53: {  	_ =	shalt  }
0x54: {  	_ =	shalt  }
0x55: {  	_ =	shalt  }
0x56: {  	_ =	shalt  }
0x57: {  	_ =	shalt  }
0x58: {  	_ =	shalt  }
0x59: {  	_ =	shalt  }
0x5a: {  	_ =	shalt  }
0x5b: {  	_ =	shalt  }
0x5c: {  	_ =	shalt  }
0x5d: {  	_ =	shalt  }
0x5e: {  	_ =	shalt  }
0x5f: {  	_ =	shalt  }
0x60: {  	_ =	shalt  }
0x61: {  	_ =	shalt  }
0x62: {  	_ =	shalt  }
0x63: {  	_ =	shalt  }
0x64: {  	_ =	shalt  }
0x65: {  	_ =	shalt  }
0x66: {  	_ =	shalt  }
0x67: {  	_ =	shalt  }
0x68: {  	_ =	shalt  }
0x69: {  	_ =	shalt  }
0x6a: {  	_ =	shalt  }
0x6b: {  	_ =	shalt  }
0x6c: {  	_ =	shalt  }
0x6d: {  	_ =	shalt  }
0x6e: {  	_ =	shalt  }
0x6f: {  	_ =	shalt  }
0x70: {  	_ =	shalt  }
0x71: {  	_ =	shalt  }
0x72: {  	_ =	shalt  }
0x73: {  	_ =	shalt  }
0x74: {  	_ =	shalt  }
0x75: {  	_ =	shalt  }
0x76: {  	_ =	shalt  }
0x77: {  	_ =	shalt  }
0x78: {  	_ =	shalt  }
0x79: {  	_ =	shalt  }
0x7a: {  	_ =	shalt  }
0x7b: {  	_ =	shalt  }
0x7c: {  	_ =	shalt  }
0x7d: {  	_ =	shalt  }
0x7e: {  	_ =	shalt  }
0x7f: {  	_ =	shalt  }
0x80: {  	_ =	shalt  }
0x81: {  	_ =	shalt  }
0x82: {  	_ =	shalt  }
0x83: {  	_ =	shalt  }
0x84: {  	_ =	shalt  }
0x85: {  	_ =	shalt  }
0x86: {  	_ =	shalt  }
0x87: {  	_ =	shalt  }
.Lfunc_end0:
.L_simem_size_0:
called_computation_lowered:
.L_overlay_start_0:
0x88: {  	s2 =	sld [smem:$0x3FD9]  }
0x89: {  	s3 =	sld [smem:$0x3FFE];
	_ =	sdelay $0x1  }
0x8a: {  	s1 =	srdreg.scid  }
0x8b: {  	s0 =	sand.u32 $0x1, s1  }
0x8c: {  	s17 =	sshll.u32 s0, $0xA;
	s2 =	sadd.s32 s3, s2  }
0x8d: {  	s2 =	sadd.s32 s2, s17  }
0x8e: {  	[smem:$0x3FC7] =	sst s2  }
0x8f: {  	_ = 	snop  }
0x90: {  	s2 =	sld [smem:$0x3FC9];
	(tm) =	ssettm $0x1  }
0x91: {  	s18 =	sld [smem:$0x3FFB];
	_ =	sdelay $0x3  }
0x92: {  	_ =	strace s18  }
0x93: {  	s3 =	sld [smem:$0x3FFC];
	_ =	sdelay $0x3  }
0x94: {  	_ =	strace s3  }
0x95: {  	s3 =	sld [smem:$0x3FFD];
	_ =	sdelay $0x3  }
0x96: {  	_ =	strace s3  }
0x97: {  	_ =	strace $0x8FFFFFFF  }
0x98: {  	s19 =	sld [smem:$0x3FDB];
	_ =	sdelay $0x1  }
0x99: {  	s4 =	simm.s32 $_scs_section_size  }
0x9a: {  	s5 =	simm.s32 $_size__tile_overlayer_lowered;
	s6 =	simm.s32 $_tile_overlayer_lowered  }
0x9b: {  	s22 =	simm.s32 $0x1BFF;
	s21 =	sshll.u32 s6, $0x1;
	s3 =	sadd.s32 s4, s19  }
0x9c: {  	s7 =	simm.s32 $0x0;
	s20 =	sshll.u32 s5, $0x1;
	s5 =	sadd.s32 s21, s3  }
0x9d: {  	[timem:s7], [sflag:s22] =	dma.local [hbm:s5], s20  }
0x9e: {  	_ =	swait.ge [sflag:s22], s20  }
0x9f: {  	s4 =	ssub.s32 $0x0, s20;
	[sflag:s22] =	ssyncset.done $0x0  }
0xa0: {  	[sflag:s22] =	ssyncadd.s32 s4;
	_ =	sdelay $0x1  }
0xa1: {  	s23 =	simm.s32 $0x1B8B  }
0xa2: {  	_ =	swait.ge [sflag:s23], $0x1  }
0xa3: {  	[sflag:s23] =	ssyncset.done $0x0  }
0xa4: {  	s25 =	simm.s32 $0x1B8E;
	s24 =	sld [smem:$0x3FFE];
	[sflag:s23] =	ssyncadd.s32 $0xFFFFFFFF  }
0xa5: {  	s26 =	simm.s32 $execute0_lowered;
	[smem:$0x3FD2] =	sst s25  }
0xa6: {  	s5 =	sshll.u32 s26, $0x1;
	_ =	strace $0x80000046;
	[dreg:$0x1] =	wrdreg $0xFFFFFFFF  }
0xa7: {  	s28 =	simm.s32 $_size_execute0_lowered;
	s3 =	sadd.s32 s3, s5;
	[dreg:$0x0] =	wrdreg $0x0  }
0xa8: {  	s5 =	sshll.u32 s28, $0x1;
	[dreg:$0x2] =	wrdreg s3  }
0xa9: {  	[dreg:$0x3] =	wrdreg s5  }
0xaa: {  	[dreg:$0x4] =	wrdreg $0xC0  }
0xab: {  	_ =	task [dreg:s7], $0x5FFFF  }
0xac: {  	[dreg:$0x1] =	wrdreg $0xFFFFFFFF  }
0xad: {  	[dreg:$0x0] =	wrdreg $0x60  }
0xae: {  	[dreg:$0x2] =	wrdreg s2  }
0xaf: {  	[dreg:$0x3] =	wrdreg s24  }
0xb0: {  	[dreg:$0x4] =	wrdreg $0x9  }
0xb1: {  	_ =	task.clear_ibuf [dreg:s7], $0x5FFFF;
	_ =	strace $0x90000046  }
0xb2: {  	s29 =	simm.s32 $0x9;
	_ =	strace $0x80000048  }
0xb3: {  	_ =	swait.ge [sflag:s29], $0x1  }
0xb4: {  	[sflag:s29] =	ssyncadd.s32 $0xFFFFFFFF  }
0xb5: {  	_ =	strace $0x90000048  }
0xb6: {  	_ =	sfence  }
0xb7: {  	s30 =	sld [smem:$0x0];
	_ =	sdelay $0x2  }
0xb8: {  	s31 =	sshll.u32 s1, $0xD;
	s1 =	sshrl.u32 s1, $0x2  }
0xb9: {  	s3 =	sand.u32 $0x4000, s31;
	s1 =	sadd.s32 s1, s30  }
0xba: {  	s0 =	sor.u32 s3, s0;
	s1 =	sshll.u32 s1, $0x11  }
0xbb: {  	s0 =	sor.u32 s1, s0  }
0xbc: {  	s0 =	sadd.s32 $0x8F2B, s0  }
0xbd: {  	[sflag:s0] =	ssyncadd.remote.s32 $0x1  }
0xbe: {  	_ =	sfence.sel $0xFFFF  }
0xbf: {  	[dreg:$0x0] =	wrdreg $0xFFFFFFFF;
	(pc) =	sbr.abs _section_cstart, $3  }
0xc0: {  	[dreg:$0x1] =	wrdreg $0xFFFFFFFF  }
0xc1: {  	_ =	task.clear_ibuf [dreg:s7], $0x2FFFF;
	_ =	strace $0x9FFFFFFF  }
0xc2: {  	(tm) =	ssettm $0x7FFFFFFF  }
0xc3: {  	_ =	shalt  }
tec
execute0_lowered:
.L_overlay_start_1:
0x0: {  	(tag) =	ssettag $0x1  }
0x1: {  	s1 =	rddreg [dreg:$0x0]  }
0x2: {  	s11 =	rddreg [dreg:$0x1];
	s2 =	simm.s32 $0x0  }
0x3: {  	v0 =	vimm.s32 $0x0;
	[smem:$0x7FF] =	sst s2  }
0x4: {  	s0 =	rddreg [dreg:$0x2];
	_ =	strace $0x80000047;
	[tilespmem:$0x20] =	vst v0  }
0x5: {  	[tilespmem:$0x30] =	vst v0  }
0x6: {  	[tilespmem:$0x40] =	vst v0  }
0x7: {  	[tilespmem:$0x50] =	vst v0  }
0x8: {  	[tilespmem:$0x60] =	vst v0  }
0x9: {  	[tilespmem:$0x70] =	vst v0  }
0xa: {  	[tilespmem:$0x0] =	vst v0  }
0xb: {  	[tilespmem:$0x1F0] =	vst v0  }
0xc: {  	[tilespmem:$0x1E0] =	vst v0  }
0xd: {  	[tilespmem:$0x1D0] =	vst v0  }
0xe: {  	[tilespmem:$0x1C0] =	vst v0  }
0xf: {  	[tilespmem:$0x1B0] =	vst v0  }
0x10: {  	[tilespmem:$0x1A0] =	vst v0  }
0x11: {  	[tilespmem:$0x190] =	vst v0  }
0x12: {  	[tilespmem:$0x180] =	vst v0  }
0x13: {  	[tilespmem:$0x170] =	vst v0  }
0x14: {  	[tilespmem:$0x160] =	vst v0  }
0x15: {  	[tilespmem:$0x150] =	vst v0  }
0x16: {  	[tilespmem:$0x140] =	vst v0  }
0x17: {  	[tilespmem:$0x130] =	vst v0  }
0x18: {  	[tilespmem:$0x120] =	vst v0  }
0x19: {  	[tilespmem:$0x110] =	vst v0  }
0x1a: {  	[tilespmem:$0x100] =	vst v0  }
0x1b: {  	[tilespmem:$0xF0] =	vst v0  }
0x1c: {  	[tilespmem:$0xE0] =	vst v0  }
0x1d: {  	[tilespmem:$0xD0] =	vst v0  }
0x1e: {  	[tilespmem:$0xC0] =	vst v0  }
0x1f: {  	[tilespmem:$0xB0] =	vst v0  }
0x20: {  	[tilespmem:$0xA0] =	vst v0  }
0x21: {  	[tilespmem:$0x90] =	vst v0  }
0x22: {  	[tilespmem:$0x80] =	vst v0  }
0x23: {  	s3 =	simm.s32 $0x80;
	s4 =	simm.s32 $0x200;
	[tilespmem:$0x10] =	vst v0  }
0x24: {  	[tilespmem:s4], [sflag:$0x1] =	stream.indirect.gather [hbm4b:s1+s3], $0xA, s2, s3, $0xb8;
	[tilespmem:$0x10200] =	vst v63  }
0x25: {  	s5 =	simm.s32 $0x4200  }
0x26: {  	[tilespmem:s5], [sflag:$0x1] =	stream.indirect.gather [hbm4b:s1+s3], $0xA, s3, s3, $0xb8;
	[tilespmem:$0x10200] =	vst v63  }
0x27: {  	s6 =	simm.s32 $0x100;
	s7 =	simm.s32 $0x8200  }
0x28: {  	[tilespmem:s7], [sflag:$0x1] =	stream.indirect.gather [hbm4b:s1+s3], $0xA, s6, s3, $0xb8;
	[tilespmem:$0x10200] =	vst v63  }
0x29: {  	s8 =	simm.s32 $0x180;
	s9 =	simm.s32 $0xC200;
	s10 =	simm.s32 $0x1  }
0x2a: {  	[tilespmem:s9], [sflag:$0x1] =	stream.indirect.gather [hbm4b:s1+s3], $0xA, s8, s3, $0xb8;
	[tilespmem:$0x10200] =	vst v63  }
0x2b: {  	_ =	swait.ge [sflag:s10], $0x500  }
0x2c: {  	[sflag:s10] =	ssyncset.done $0x0  }
0x2d: {  	s12 =	srdreg.scid;
	[sflag:s10] =	ssyncadd.s32 $0xFFFFFB00  }
0x2e: {  	s12 =	sand.u32 $0x1, s12;
	_ =	swait.ge [sflag:s10], $0x500  }
0x2f: {  	s13 =	sshll.u32 s12, $0xD;
	s12 =	ssub.s32 $0x2, s12;
	[sflag:s10] =	ssyncset.done $0x0  }
0x30: {  	s13 =	sadd.s32 s13, s11;
	s11 =	stileid.u32;
	[sflag:s10] =	ssyncadd.s32 $0xFFFFFB00  }
0x31: {  	s31 =	sshrl.u32 s12, $0x1;
	s14 =	sshll.u32 s11, $0xE;
	_ =	swait.ge [sflag:s10], $0x500  }
0x32: {  	s13 =	sadd.s32 s14, s13;
	s14 =	ssub.s32 s12, s31;
	[sflag:s10] =	ssyncset.done $0x0  }
0x33: {  	s14 =	smax.u32 s14, $0x1;
	[sflag:s10] =	ssyncadd.s32 $0xFFFFFB00  }
0x34: {  	p0 =	sne.s32 s14, $0x1;
	_ =	swait.ge [sflag:s10], $0x500  }
.Ltmp0:
0x35: {  	[sflag:s10] =	ssyncset.done $0x0;
	(pc) =	sbr.rel @!p0 .LBB2_2-.Ltmp0, $4  }
0x36: {  	s12 =	sadd.s32 $0x400, s13;
	s13 =	simm.s32 $0x2;
	[sflag:s10] =	ssyncadd.s32 $0xFFFFFB00  }
0x37: {  	[hbm4b:s12+s2] =	stream.linear.scatter [tilespmem:s4], [sflag:$0x2], $0x10000, $0x38;
	[tilespmem:$0x10200] =	vst v63  }
0x38: {  	_ =	swait.ge [sflag:s13], $0x10000  }
0x39: {  	s14 =	sadd.s32 $0xFFFFFFFF, s14;
	[sflag:s13] =	ssyncset.done $0x0  }
.LBB2_1:
0x3a: {  	p0 =	sne.s32 s14, $0x1;
	s14 =	sadd.s32 $0xFFFFFFFF, s14;
	[sflag:s13] =	ssyncadd.s32 $0xFFFF0000  }
0x3b: {  	[tilespmem:$0x20] =	vst v0  }
0x3c: {  	[tilespmem:$0x30] =	vst v0  }
0x3d: {  	[tilespmem:$0x40] =	vst v0  }
0x3e: {  	[tilespmem:$0x50] =	vst v0  }
0x3f: {  	[tilespmem:$0x60] =	vst v0  }
0x40: {  	[tilespmem:$0x70] =	vst v0  }
0x41: {  	[tilespmem:$0x0] =	vst v0  }
0x42: {  	[tilespmem:$0x1F0] =	vst v0  }
0x43: {  	[tilespmem:$0x1E0] =	vst v0  }
0x44: {  	[tilespmem:$0x1D0] =	vst v0  }
0x45: {  	[tilespmem:$0x1C0] =	vst v0  }
0x46: {  	[tilespmem:$0x1B0] =	vst v0  }
0x47: {  	[tilespmem:$0x1A0] =	vst v0  }
0x48: {  	[tilespmem:$0x190] =	vst v0  }
0x49: {  	[tilespmem:$0x180] =	vst v0  }
0x4a: {  	[tilespmem:$0x170] =	vst v0  }
0x4b: {  	[tilespmem:$0x160] =	vst v0  }
0x4c: {  	[tilespmem:$0x150] =	vst v0  }
0x4d: {  	[tilespmem:$0x140] =	vst v0  }
0x4e: {  	[tilespmem:$0x130] =	vst v0  }
0x4f: {  	[tilespmem:$0x120] =	vst v0  }
0x50: {  	[tilespmem:$0x110] =	vst v0  }
0x51: {  	[tilespmem:$0x100] =	vst v0  }
0x52: {  	[tilespmem:$0xF0] =	vst v0  }
0x53: {  	[tilespmem:$0xE0] =	vst v0  }
0x54: {  	[tilespmem:$0xD0] =	vst v0  }
0x55: {  	[tilespmem:$0xC0] =	vst v0  }
0x56: {  	[tilespmem:$0xB0] =	vst v0  }
0x57: {  	[tilespmem:$0xA0] =	vst v0  }
0x58: {  	[tilespmem:$0x90] =	vst v0  }
0x59: {  	[tilespmem:$0x80] =	vst v0  }
0x5a: {  	[tilespmem:$0x10] =	vst v0  }
0x5b: {  	[tilespmem:s4], [sflag:$0x1] =	stream.indirect.gather [hbm4b:s1+s3], $0xA, s2, s3, $0xb8;
	[tilespmem:$0x10200] =	vst v63  }
0x5c: {  	_ = 	snop  }
0x5d: {  	[tilespmem:s5], [sflag:$0x1] =	stream.indirect.gather [hbm4b:s1+s3], $0xA, s3, s3, $0xb8;
	[tilespmem:$0x10200] =	vst v63  }
0x5e: {  	_ = 	snop  }
0x5f: {  	[tilespmem:s7], [sflag:$0x1] =	stream.indirect.gather [hbm4b:s1+s3], $0xA, s6, s3, $0xb8;
	[tilespmem:$0x10200] =	vst v63  }
0x60: {  	_ = 	snop  }
0x61: {  	[tilespmem:s9], [sflag:$0x1] =	stream.indirect.gather [hbm4b:s1+s3], $0xA, s8, s3, $0xb8;
	[tilespmem:$0x10200] =	vst v63  }
0x62: {  	_ =	swait.ge [sflag:s10], $0x500  }
0x63: {  	[sflag:s10] =	ssyncset.done $0x0  }
0x64: {  	[sflag:s10] =	ssyncadd.s32 $0xFFFFFB00  }
0x65: {  	_ =	swait.ge [sflag:s10], $0x500  }
0x66: {  	[sflag:s10] =	ssyncset.done $0x0  }
0x67: {  	[sflag:s10] =	ssyncadd.s32 $0xFFFFFB00  }
0x68: {  	_ =	swait.ge [sflag:s10], $0x500  }
0x69: {  	[sflag:s10] =	ssyncset.done $0x0  }
0x6a: {  	[sflag:s10] =	ssyncadd.s32 $0xFFFFFB00  }
0x6b: {  	_ =	swait.ge [sflag:s10], $0x500  }
.Ltmp1:
0x6c: {  	[sflag:s10] =	ssyncset.done $0x0;
	(pc) =	sbr.rel @p0 .LBB2_1-.Ltmp1, $4  }
0x6d: {  	[sflag:s10] =	ssyncadd.s32 $0xFFFFFB00  }
0x6e: {  	[hbm4b:s12+s2] =	stream.linear.scatter [tilespmem:s4], [sflag:$0x2], $0x10000, $0x38;
	[tilespmem:$0x10200] =	vst v63  }
0x6f: {  	_ =	swait.ge [sflag:s13], $0x10000  }
0x70: {  	[sflag:s13] =	ssyncset.done $0x0  }
.LBB2_2:
0x71: {  	[sflag:s13] =	ssyncadd.s32 $0xFFFF0000  }
0x72: {  	_ =	sfence.sel $0x180000  }
0x73: {  	[bflag:$0x0] =	sbarrier.arrive $0xFFFF  }
0x74: {  	p0 =	sne.s32 s11, $0x0;
	_ =	strace $0x90000047  }
0x75: {  	s0 =	sadd.s32 @!p0 $0x100000, s0;
	[bflag:$0x2] =	sbarrier.arrive $0xFFFF  }
0x76: {  	[sflag:s0] =	ssyncadd.tile.s32 @!p0 $0x1;
	_ =	shalt  }
.Lfunc_end2:
_tile_overlayer_lowered:
.L_overlay_start_2:
0x77: {  	(tag) =	ssettag $0x2  }
0x78: {  	s0 =	rddreg [dreg:$0x0];
	s2 =	stileid.u32  }
0x79: {  	s1 =	rddreg [dreg:$0x1];
	p0 =	sne.s32 s2, $0x0  }
0x7a: {  	s3 =	rddreg [dreg:$0x2];
	[bflag:$0x3] =	sbarrier.arrive $0xFFFF;
	s2 =	simm.s32 @!p0 $0x1C02  }
0x7b: {  	[timem:s3], [sflag:s2] =	dma.local @!p0 [hbm:s0], s1  }
0x7c: {  	s0 =	simm.s32 @!p0 $0x2  }
0x7d: {  	_ =	swait.ge @!p0 [sflag:s0], s1  }
0x7e: {  	s1 =	ssub.s32 @!p0 $0x0, s1;
	[sflag:s0] =	ssyncset.done @!p0 $0x0  }
0x7f: {  	[sflag:s0] =	ssyncadd.s32 @!p0 s1  }
0x80: {  	[bflag:$0x3] =	sbarrier.arrive $0xFFFF  }
0x81: {  	_ =	shalt  }

</sc_bundles>
